<compile_context>
chip_gen: v7x
topology: tpu7x:2x2x1
jax: 0.10.2.dev20260603
libtpu: 0.0.44.dev20260713+nightly
codegen_flags: <defaults>
</compile_context>

<pallas_src>
import jax
import jax.numpy as jnp
from jax.experimental import pallas as pl
from jax.experimental.pallas import tpu as pltpu

QBLK = 512


def _attn_kernel(st_ref, q_ref, k_ref, v_ref, o_ref, sks_ref, stv_ref):
    j = pl.program_id(1)
    d = q_ref.shape[2]

    @pl.when(j == 0)
    def _pool():
        kb = k_ref[0].astype(jnp.bfloat16)
        vb = v_ref[0].astype(jnp.bfloat16)
        st = st_ref[...]
        sks = jax.lax.dot_general(
            st, kb, (((1,), (0,)), ((), ())),
            preferred_element_type=jnp.float32)
        stv = jax.lax.dot_general(
            st, vb, (((1,), (0,)), ((), ())),
            preferred_element_type=jnp.float32)
        sks_ref[...] = (sks * (1.0 / (d ** 0.5))).astype(jnp.bfloat16)
        stv_ref[...] = stv.astype(jnp.bfloat16)

    q = q_ref[0].astype(jnp.bfloat16)
    s = jax.lax.dot_general(
        q, sks_ref[...], (((1,), (1,)), ((), ())),
        preferred_element_type=jnp.float32)
    e = jnp.exp(s)
    r = jnp.sum(e, axis=-1, keepdims=True)
    o = jax.lax.dot_general(
        e.astype(jnp.bfloat16), stv_ref[...], (((1,), (0,)), ((), ())),
        preferred_element_type=jnp.float32)
    vres = v_ref[0, pl.ds(j * QBLK, QBLK), :]
    o_ref[0] = o / r + vres


def kernel(Q, K, V, mask):
    b, h, n, d = Q.shape
    m2 = 256
    pool = n // m2
    bh = b * h
    nq = n // QBLK
    Qf = Q.reshape(bh, n, d)
    Kf = K.reshape(bh, n, d)
    Vf = V.reshape(bh, n, d)
    st = jnp.where(
        (jnp.arange(n)[None, :] // pool) == jnp.arange(m2)[:, None],
        1.0 / pool, 0.0).astype(jnp.bfloat16)
    out = pl.pallas_call(
        _attn_kernel,
        grid=(bh, nq),
        in_specs=[
            pl.BlockSpec((m2, n), lambda i, j: (0, 0)),
            pl.BlockSpec((1, QBLK, d), lambda i, j: (i, j, 0)),
            pl.BlockSpec((1, n, d), lambda i, j: (i, 0, 0)),
            pl.BlockSpec((1, n, d), lambda i, j: (i, 0, 0)),
        ],
        out_specs=pl.BlockSpec((1, QBLK, d), lambda i, j: (i, j, 0)),
        out_shape=jax.ShapeDtypeStruct((bh, n, d), jnp.float32),
        scratch_shapes=[
            pltpu.VMEM((m2, d), jnp.bfloat16),
            pltpu.VMEM((m2, d), jnp.bfloat16),
        ],
        compiler_params=pltpu.CompilerParams(
            dimension_semantics=("arbitrary", "arbitrary")),
    )(st, Qf, Kf, Vf)
    return out.reshape(b, h, n, d)

# --- scband reference (transcript-rebuilt; emitter-appended) ---
"""Pipeline reference for scband-sketching-attention-41257455845835 (READ-ONLY COPY).

The authoritative reference and input builder live on the scoring server;
editing this copy changes nothing except your own understanding.
"""

import jax, jax.numpy as jnp
import numpy as np

BATCH = 4
NUM_HEAD = 32
SEQ_LEN = 4096
HEAD_DIM = 64
M2 = 256  # sketch_dim_AV


def setup_inputs(seed: int = 0) -> dict:
    key = jax.random.key(seed)
    k1, k2, k3 = jax.random.split(key, 3)
    Q = jax.random.normal(k1, (BATCH, NUM_HEAD, SEQ_LEN, HEAD_DIM), dtype=jnp.float32)
    K = jax.random.normal(k2, (BATCH, NUM_HEAD, SEQ_LEN, HEAD_DIM), dtype=jnp.float32)
    V = jax.random.normal(k3, (BATCH, NUM_HEAD, SEQ_LEN, HEAD_DIM), dtype=jnp.float32)
    mask = jnp.ones((BATCH, SEQ_LEN), dtype=jnp.float32)
    return {"Q": Q, "K": K, "V": V, "mask": mask}


def compute_attn(Q, KS, relu=False):
    d = Q.shape[-1]
    A = jnp.matmul(Q, jnp.swapaxes(KS, -1, -2)) / (d ** 0.5)
    if relu:
        A = A * (A > 0)
    A = jax.nn.softmax(A, axis=-1)
    return A


def reference(Q, K, V, mask):
    # config: sketch_QT=False, sketch_AV=True, method='averaging', mask=False, use_relu=False
    b, h, n, d = Q.shape
    m2 = M2
    QS = Q
    KS = jnp.swapaxes(K, -1, -2)  # (b, h, d, n)
    # right_sketch_3D with method='averaging': block-average the n columns into m2 landmarks
    SKS = KS.reshape(b, h, d, m2, n // m2).mean(axis=-1)  # (b, h, d, m2)
    SKS = jnp.swapaxes(SKS, -1, -2)  # (b, h, m2, d)
    A_est = compute_attn(QS, SKS, relu=False)  # (b, h, n, m2)
    ST_V = V.reshape(b, h, m2, n // m2, d).mean(axis=-2)  # (b, h, m2, d)
    AV_est = jnp.matmul(A_est, ST_V)  # (b, h, n, d)
    # skip_V == True: residual skip connection with V (truncated line reconstructed)
    AV_est = AV_est + V
    return AV_est

if __name__ == "__main__":
    import jax
    _d = setup_inputs()
    print(jax.jit(kernel)(*tuple(_d.values())))

</pallas_src>

<mosaic_0001>
module attributes {stable_mosaic.version = 14 : i64} {
  func.func @_attn_kernel(%arg0: i32, %arg1: i32, %arg2: memref<256x4096xbf16, #tpu.memory_space<vmem>>, %arg3: memref<1x512x64xf32, #tpu.memory_space<vmem>>, %arg4: memref<1x4096x64xf32, #tpu.memory_space<vmem>>, %arg5: memref<1x4096x64xf32, #tpu.memory_space<vmem>>, %arg6: memref<1x512x64xf32, #tpu.memory_space<vmem>>, %arg7: memref<256x64xbf16, #tpu.memory_space<vmem>>, %arg8: memref<256x64xbf16, #tpu.memory_space<vmem>>) attributes {dimension_semantics = [#tpu.dimension_semantics<arbitrary>, #tpu.dimension_semantics<arbitrary>], iteration_bounds = array<i64: 128, 8>, scalar_prefetch = 0 : i64, scratch_operands = 2 : i64, tpu.core_type = #tpu.core_type<tc>, window_params = [{pipeline_mode = #tpu.pipeline_mode<synchronous>, transform_indices = @transform_0, window_bounds = array<i64: 256, 4096>}, {transform_indices = @transform_1, window_bounds = array<i64: 1, 512, 64>}, {transform_indices = @transform_2, window_bounds = array<i64: 1, 4096, 64>}, {transform_indices = @transform_3, window_bounds = array<i64: 1, 4096, 64>}, {transform_indices = @transform_4, window_bounds = array<i64: 1, 512, 64>}]} {
    %eq3A = arith.constant 0 : i32
    %eq3A_0 = arith.cmpi eq, %arg1, %eq3A : i32
    %convert_element_type3A = arith.extui %eq3A_0 : i1 to i32
    %cond3A = arith.constant 0 : i32
    %cond3A_1 = arith.cmpi ne, %convert_element_type3A, %cond3A : i32
    scf.if %cond3A_1 {
      %get3A_30 = arith.constant 0 : index
      %get3A_31 = arith.constant 0 : index
      %get3A_32 = arith.constant 0 : index
      %get3A_33 = vector.load %arg4[%get3A_30, %get3A_31, %get3A_32] : memref<1x4096x64xf32, #tpu.memory_space<vmem>>, vector<1x4096x64xf32>
      %get3A_34 = vector.shape_cast %get3A_33 : vector<1x4096x64xf32> to vector<4096x64xf32>
      %convert_element_type3A_35 = arith.truncf %get3A_34 : vector<4096x64xf32> to vector<4096x64xbf16>
      %get3A_36 = arith.constant 0 : index
      %get3A_37 = arith.constant 0 : index
      %get3A_38 = arith.constant 0 : index
      %get3A_39 = vector.load %arg5[%get3A_36, %get3A_37, %get3A_38] : memref<1x4096x64xf32, #tpu.memory_space<vmem>>, vector<1x4096x64xf32>
      %get3A_40 = vector.shape_cast %get3A_39 : vector<1x4096x64xf32> to vector<4096x64xf32>
      %convert_element_type3A_41 = arith.truncf %get3A_40 : vector<4096x64xf32> to vector<4096x64xbf16>
      %get3A_42 = arith.constant 0 : index
      %get3A_43 = arith.constant 0 : index
      %get3A_44 = vector.load %arg2[%get3A_42, %get3A_43] : memref<256x4096xbf16, #tpu.memory_space<vmem>>, vector<256x4096xbf16>
      %dot_general3A_45 = arith.constant dense<0.000000e+00> : vector<256x64xf32>
      %dot_general3A_46 = tpu.matmul %get3A_44, %convert_element_type3A_35, %dot_general3A_45 {dimension_numbers = #tpu.dot_dimension_numbers<[1], [0], [0], [1], [0, 0, 1, 1], [], []>, transpose_lhs_hint = false} : vector<256x4096xbf16>, vector<4096x64xbf16>, vector<256x64xf32> -> vector<256x64xf32>
      %dot_general3A_47 = arith.constant dense<0.000000e+00> : vector<256x64xf32>
      %dot_general3A_48 = tpu.matmul %get3A_44, %convert_element_type3A_41, %dot_general3A_47 {dimension_numbers = #tpu.dot_dimension_numbers<[1], [0], [0], [1], [0, 0, 1, 1], [], []>, transpose_lhs_hint = false} : vector<256x4096xbf16>, vector<4096x64xbf16>, vector<256x64xf32> -> vector<256x64xf32>
      %mul3A_49 = arith.constant 1.250000e-01 : f32
      %mul3A_50 = vector.broadcast %mul3A_49 : f32 to vector<256x64xf32>
      %mul3A_51 = arith.mulf %dot_general3A_46, %mul3A_50 : vector<256x64xf32>
      %convert_element_type3A_52 = arith.truncf %mul3A_51 : vector<256x64xf32> to vector<256x64xbf16>
      %swap3A_53 = arith.constant 0 : index
      %swap3A_54 = arith.constant 0 : index
      %swap3A_55 = vector.load %arg7[%swap3A_53, %swap3A_54] : memref<256x64xbf16, #tpu.memory_space<vmem>>, vector<256x64xbf16>
      tpu.vector_store %arg7[%swap3A_53, %swap3A_54], %convert_element_type3A_52 {strides = array<i32>} : memref<256x64xbf16, #tpu.memory_space<vmem>>, vector<256x64xbf16>,
      %convert_element_type3A_56 = arith.truncf %dot_general3A_48 : vector<256x64xf32> to vector<256x64xbf16>
      %swap3A_57 = arith.constant 0 : index
      %swap3A_58 = arith.constant 0 : index
      %swap3A_59 = vector.load %arg8[%swap3A_57, %swap3A_58] : memref<256x64xbf16, #tpu.memory_space<vmem>>, vector<256x64xbf16>
      tpu.vector_store %arg8[%swap3A_57, %swap3A_58], %convert_element_type3A_56 {strides = array<i32>} : memref<256x64xbf16, #tpu.memory_space<vmem>>, vector<256x64xbf16>,
    } else {
    }
    %get3A = arith.constant 0 : index
    %get3A_2 = arith.constant 0 : index
    %get3A_3 = arith.constant 0 : index
    %get3A_4 = vector.load %arg3[%get3A, %get3A_2, %get3A_3] : memref<1x512x64xf32, #tpu.memory_space<vmem>>, vector<1x512x64xf32>
    %get3A_5 = vector.shape_cast %get3A_4 : vector<1x512x64xf32> to vector<512x64xf32>
    %convert_element_type3A_6 = arith.truncf %get3A_5 : vector<512x64xf32> to vector<512x64xbf16>
    %get3A_7 = arith.constant 0 : index
    %get3A_8 = arith.constant 0 : index
    %get3A_9 = vector.load %arg7[%get3A_7, %get3A_8] : memref<256x64xbf16, #tpu.memory_space<vmem>>, vector<256x64xbf16>
    %dot_general3A = arith.constant dense<0.000000e+00> : vector<512x256xf32>
    %dot_general3A_10 = tpu.matmul %convert_element_type3A_6, %get3A_9, %dot_general3A {dimension_numbers = #tpu.dot_dimension_numbers<[1], [1], [0], [0], [0, 0, 1, 0], [], []>, transpose_lhs_hint = false} : vector<512x64xbf16>, vector<256x64xbf16>, vector<512x256xf32> -> vector<512x256xf32>
    %exp3A = math.exp %dot_general3A_10 : vector<512x256xf32>
    %reduce_sum3A = arith.constant dense<0.000000e+00> : vector<512xf32>
    %reduce_sum3A_11 = vector.multi_reduction <add>, %exp3A, %reduce_sum3A [1] : vector<512x256xf32> to vector<512xf32>
    %broadcast_in_dim3A = vector.shape_cast %reduce_sum3A_11 : vector<512xf32> to vector<512x1xf32>
    %convert_element_type3A_12 = arith.truncf %exp3A : vector<512x256xf32> to vector<512x256xbf16>
    %get3A_13 = arith.constant 0 : index
    %get3A_14 = arith.constant 0 : index
    %get3A_15 = vector.load %arg8[%get3A_13, %get3A_14] : memref<256x64xbf16, #tpu.memory_space<vmem>>, vector<256x64xbf16>
    %dot_general3A_16 = arith.constant dense<0.000000e+00> : vector<512x64xf32>
    %dot_general3A_17 = tpu.matmul %convert_element_type3A_12, %get3A_15, %dot_general3A_16 {dimension_numbers = #tpu.dot_dimension_numbers<[1], [0], [0], [1], [0, 0, 1, 1], [], []>, transpose_lhs_hint = false} : vector<512x256xbf16>, vector<256x64xbf16>, vector<512x64xf32> -> vector<512x64xf32>
    %mul3A = arith.constant 512 : i32
    %mul3A_18 = arith.muli %arg1, %mul3A : i32
    %get3A_19 = arith.constant 0 : index
    %get3A_20 = arith.index_cast %mul3A_18 : i32 to index
    %get3A_21 = arith.constant 0 : index
    %get3A_22 = vector.load %arg5[%get3A_19, %get3A_20, %get3A_21] : memref<1x4096x64xf32, #tpu.memory_space<vmem>>, vector<1x512x64xf32>
    %get3A_23 = vector.shape_cast %get3A_22 : vector<1x512x64xf32> to vector<512x64xf32>
    %div3A = vector.broadcast %broadcast_in_dim3A : vector<512x1xf32> to vector<512x64xf32>
    %div3A_24 = arith.divf %dot_general3A_17, %div3A : vector<512x64xf32>
    %add3A = arith.addf %div3A_24, %get3A_23 : vector<512x64xf32>
    %swap3A = arith.constant 0 : index
    %swap3A_25 = arith.constant 0 : index
    %swap3A_26 = arith.constant 0 : index
    %swap3A_27 = vector.load %arg6[%swap3A, %swap3A_25, %swap3A_26] : memref<1x512x64xf32, #tpu.memory_space<vmem>>, vector<1x512x64xf32>
    %swap3A_28 = vector.shape_cast %swap3A_27 : vector<1x512x64xf32> to vector<512x64xf32>
    %swap3A_29 = vector.shape_cast %add3A : vector<512x64xf32> to vector<1x512x64xf32>
    tpu.vector_store %arg6[%swap3A, %swap3A_25, %swap3A_26], %swap3A_29 {strides = array<i32>} : memref<1x512x64xf32, #tpu.memory_space<vmem>>, vector<1x512x64xf32>,
    return
  }
  func.func @transform_0(%arg0: i32, %arg1: i32) -> (i32, i32) {
    %c0_i32 = arith.constant 0 : i32
    %c0_i32_0 = arith.constant 0 : i32
    %c0_i32_1 = arith.constant 0 : i32
    return %c0_i32, %c0_i32_0 : i32, i32
  }
  func.func @transform_1(%arg0: i32, %arg1: i32) -> (i32, i32, i32) {
    %c0_i32 = arith.constant 0 : i32
    %c0_i32_0 = arith.constant 0 : i32
    return %arg0, %arg1, %c0_i32 : i32, i32, i32
  }
  func.func @transform_2(%arg0: i32, %arg1: i32) -> (i32, i32, i32) {
    %c0_i32 = arith.constant 0 : i32
    %c0_i32_0 = arith.constant 0 : i32
    %c0_i32_1 = arith.constant 0 : i32
    return %arg0, %c0_i32, %c0_i32_0 : i32, i32, i32
  }
  func.func @transform_3(%arg0: i32, %arg1: i32) -> (i32, i32, i32) {
    %c0_i32 = arith.constant 0 : i32
    %c0_i32_0 = arith.constant 0 : i32
    %c0_i32_1 = arith.constant 0 : i32
    return %arg0, %c0_i32, %c0_i32_0 : i32, i32, i32
  }
  func.func @transform_4(%arg0: i32, %arg1: i32) -> (i32, i32, i32) {
    %c0_i32 = arith.constant 0 : i32
    %c0_i32_0 = arith.constant 0 : i32
    return %arg0, %arg1, %c0_i32 : i32, i32, i32
  }
}

</mosaic_0001>

<sc_bundles>
// kernel: sparse-core-data-format-call.cloned.1.call-start
scs
called_computation_lowered:
.L_overlay_start_0:
0x0: {  	s2 =	sld [smem:$0x3FD9]  }
0x1: {  	s3 =	sld [smem:$0x3FFE];
	_ =	sdelay $0x1  }
0x2: {  	s1 =	srdreg.scid  }
0x3: {  	s0 =	sand.u32 $0x1, s1  }
0x4: {  	s18 =	sshll.u32 s0, $0xA;
	s2 =	sadd.s32 s3, s2  }
0x5: {  	s2 =	sadd.s32 s2, s18  }
0x6: {  	[smem:$0x3FC5] =	sst s2  }
0x7: {  	_ = 	snop  }
0x8: {  	s2 =	sld [smem:$0x3FD0];
	(tm) =	ssettm $0x1  }
0x9: {  	s19 =	sld [smem:$0x3FFB];
	_ =	sdelay $0x3  }
0xa: {  	_ =	strace s19  }
0xb: {  	s3 =	sld [smem:$0x3FFC];
	_ =	sdelay $0x3  }
0xc: {  	_ =	strace s3  }
0xd: {  	s3 =	sld [smem:$0x3FFD];
	_ =	sdelay $0x3  }
0xe: {  	_ =	strace s3  }
0xf: {  	_ =	strace $0x8FFFFFFF  }
0x10: {  	s20 =	sld [smem:$0x3FDB];
	_ =	sdelay $0x1  }
0x11: {  	s4 =	simm.s32 $_scs_section_size  }
0x12: {  	s5 =	simm.s32 $_size__tile_overlayer_lowered;
	s6 =	simm.s32 $_tile_overlayer_lowered  }
0x13: {  	s23 =	simm.s32 $0x1BFF;
	s22 =	sshll.u32 s6, $0x1;
	s3 =	sadd.s32 s4, s20  }
0x14: {  	s7 =	simm.s32 $0x0;
	s21 =	sshll.u32 s5, $0x1;
	s5 =	sadd.s32 s22, s3  }
0x15: {  	[timem:s7], [sflag:s23] =	dma.local [hbm:s5], s21  }
0x16: {  	_ =	swait.ge [sflag:s23], s21  }
0x17: {  	s4 =	ssub.s32 $0x0, s21;
	[sflag:s23] =	ssyncset.done $0x0  }
0x18: {  	[sflag:s23] =	ssyncadd.s32 s4;
	_ =	sdelay $0x1  }
0x19: {  	s24 =	simm.s32 $0x1B8B  }
0x1a: {  	_ =	swait.ge [sflag:s24], $0x1  }
0x1b: {  	[sflag:s24] =	ssyncset.done $0x0  }
0x1c: {  	s26 =	simm.s32 $0x1B8E;
	s25 =	sld [smem:$0x3FFE];
	[sflag:s24] =	ssyncadd.s32 $0xFFFFFFFF  }
0x1d: {  	s27 =	simm.s32 $execute0_lowered;
	[smem:$0x3FD2] =	sst s26  }
0x1e: {  	s5 =	sshll.u32 s27, $0x1;
	_ =	strace $0x80000046;
	[dreg:$0x1] =	wrdreg $0xFFFFFFFF  }
0x1f: {  	s28 =	simm.s32 $_size_execute0_lowered;
	s3 =	sadd.s32 s3, s5;
	[dreg:$0x0] =	wrdreg $0x0  }
0x20: {  	s5 =	sshll.u32 s28, $0x1;
	[dreg:$0x2] =	wrdreg s3  }
0x21: {  	[dreg:$0x3] =	wrdreg s5  }
0x22: {  	[dreg:$0x4] =	wrdreg $0xC0  }
0x23: {  	_ =	task [dreg:s7], $0x5FFFF  }
0x24: {  	[dreg:$0x1] =	wrdreg $0xFFFFFFFF  }
0x25: {  	[dreg:$0x0] =	wrdreg $0x60  }
0x26: {  	[dreg:$0x2] =	wrdreg s25  }
0x27: {  	[dreg:$0x3] =	wrdreg s2  }
0x28: {  	[dreg:$0x4] =	wrdreg $0x9  }
0x29: {  	_ =	task.clear_ibuf [dreg:s7], $0x5FFFF;
	_ =	strace $0x90000046  }
0x2a: {  	s29 =	simm.s32 $0x9;
	_ =	strace $0x80000048  }
0x2b: {  	_ =	swait.ge [sflag:s29], $0x1  }
0x2c: {  	[sflag:s29] =	ssyncadd.s32 $0xFFFFFFFF  }
0x2d: {  	_ =	strace $0x90000048  }
0x2e: {  	_ =	sfence  }
0x2f: {  	s30 =	sld [smem:$0x0];
	_ =	sdelay $0x2  }
0x30: {  	s31 =	sshll.u32 s1, $0xD;
	s1 =	sshrl.u32 s1, $0x2  }
0x31: {  	s3 =	sand.u32 $0x4000, s31;
	s1 =	sadd.s32 s1, s30  }
0x32: {  	s0 =	sor.u32 s3, s0;
	s1 =	sshll.u32 s1, $0x11  }
0x33: {  	s0 =	sor.u32 s1, s0  }
0x34: {  	s0 =	sadd.s32 $0x8F2B, s0  }
0x35: {  	[sflag:s0] =	ssyncadd.remote.s32 $0x1  }
0x36: {  	_ =	sfence.sel $0xFFFF  }
0x37: {  	[dreg:$0x0] =	wrdreg $0xFFFFFFFF;
	(pc) =	sbr.abs _section_cstart, $3  }
0x38: {  	[dreg:$0x1] =	wrdreg $0xFFFFFFFF  }
0x39: {  	_ =	task.clear_ibuf [dreg:s7], $0x2FFFF;
	_ =	strace $0x9FFFFFFF  }
0x3a: {  	(tm) =	ssettm $0x7FFFFFFF  }
0x3b: {  	_ =	shalt  }
tec
execute0_lowered:
.L_overlay_start_1:
0x0: {  	(tag) =	ssettag $0x1  }
0x1: {  	s1 =	srdreg.scid  }
0x2: {  	s0 =	stileid.u32;
	s8 =	rddreg [dreg:$0x0]  }
0x3: {  	s2 =	rddreg [dreg:$0x1];
	s7 =	simm.s32 $0x1;
	s1 =	sshll.u32 s1, $0x4  }
0x4: {  	s9 =	simm.s32 $0x2;
	s15 =	simm.s32 $0x0;
	s1 =	sor.u32 s0, s1  }
0x5: {  	s10 =	simm.s32 $0x8000;
	s16 =	simm.s32 $0x0;
	s1 =	sshrl.u32 s1, $0x1  }
0x6: {  	s17 =	simm.s32 $0x0;
	s11 =	simm.s32 $0x0;
	s3 =	sand.u32 $0xE, s1  }
0x7: {  	s14 =	simm.s32 $0x0;
	s4 =	sadd.s32 $0x1800600, s8;
	s6 =	ssub.s32 $0x20, s3  }
0x8: {  	s8 =	sadd.s32 $0x1810600, s8;
	s1 =	rddreg [dreg:$0x2];
	s5 =	sand.u32 $0xE, s6  }
.Ltmp0:
0x9: {  	_ =	strace $0x80000047;
	p0 =	sne.s32 s5, $0x0;
	(pc) =	sbr.rel .LBB1_1-.Ltmp0, $4  }
0xa: {  	s6 =	sshrl.u32 s6, $0x4;
	s5 =	simm.s32 $0x1;
	s7 =	simm.s32 @!p0 $0x0  }
0xb: {  	s12 =	smov.u32 s3;
	[sflag:s5] =	ssyncpa.u1 $0x0;
	s7 =	sadd.s32 s7, s6  }
0xc: {  	p0 =	por $0x0, $0x0;
	s6 =	sand.u32 $0x3, s0;
	s7 =	sshll.u32 s7, $0x5  }
0xd: {  	[sflag:s9] =	ssyncpa.u1 $0x0;
	s13 =	smov.u32 s6;
	s9 =	sor.u32 $0x1, s7  }
.LBB1_7:
0xe: {  	s18 =	sadd.s32 $0x80, s11  }
0xf: {  	s15 =	sadd.s32 $0x10, s12;
	s19 =	smov.u32 s12;
	p2 =	sgt.s32 s18, $0xFFF  }
0x10: {  	s19 =	smov.u32 @p2 s15  }
0x11: {  	s21 =	smov.u32 s13;
	s15 =	sadd.s32 $0x4, s13;
	p3 =	sgt.s32 s19, $0x1F  }
0x12: {  	s21 =	smov.u32 @p3 s15  }
0x13: {  	s18 =	simm.s32 @p2 $0x0;
	p2 =	sgt.s32 s21, $0x3  }
0x14: {  	p1 =	slt.u32 s14, $0x2;
	s21 =	smov.u32 @p2 s6;
	p2 =	sne.s32 s14, s9  }
.Ltmp1:
0x15: {  	s20 =	simm.s32 @!p1 $0x2;
	(pc) =	sbr.rel @!p2 .LBB1_8-.Ltmp1, $4  }
0x16: {  	s16 =	smov.u32 s12;
	s17 =	smov.u32 s13;
	_ =	swait.ge @!p1 [sflag:s20], $0x4000  }
0x17: {  	p0 =	por !p0, !p0;
	[sflag:s20] =	ssyncset.done @!p1 $0x0;
	s19 =	smov.u32 @p3 s3  }
0x18: {  	s15 =	smov.u32 s11;
	[sflag:s20] =	ssyncadd.s32 @!p1 $0xFFFFC000;
	s11 =	smov.u32 s18  }
0x19: {  	s12 =	smov.u32 s19;
	s14 =	sadd.s32 $0x1, s14;
	s13 =	smov.u32 s21  }
.LBB1_1:
0x1a: {  	p1 =	sge.u32 s14, s7  }
0x1b: {  	s18 =	sxor.u32 @!p1 $0xFFFFFFFF, s14;
	s19 =	sshll.u32 @!p1 s13, $0x15  }
0x1c: {  	s20 =	sshll.u32 @!p1 s12, $0x10;
	s22 =	sshll.u32 @!p1 s11, $0x4;
	s23 =	simm.s32 @!p1 $0x40  }
0x1d: {  	s24 =	simm.s32 @!p1 $0x80;
	s18 =	sshll.u32 @!p1 s18, $0xE;
	s21 =	sadd.s32 @!p1 s19, s20  }
0x1e: {  	s22 =	sand.u32 @!p1 $0xFFF0, s22;
	s19 =	sadd.s32 @!p1 s19, s8;
	s21 =	sadd.s32 @!p1 s4, s21  }
0x1f: {  	s18 =	sand.u32 @!p1 $0x4000, s18;
	s19 =	sadd.s32 @!p1 s20, s19;
	s21 =	sadd.s32 @!p1 s22, s21  }
0x20: {  	[tilespmem:s18], [sflag:$0x1] =	stream.strided.gather @!p1 [hbm4b:s21+s23], $0x2000, s24, s23, $0x38;
	[tilespmem:$0x10100] =	vst v63  }
0x21: {  	s31 =	sadd.s32 $0xFFFFFFFF, s14;
	s19 =	sadd.s32 @!p1 s22, s19;
	s18 =	sor.u32 @!p1 $0x2000, s18  }
0x22: {  	[tilespmem:s18], [sflag:$0x1] =	stream.strided.gather @!p1 [hbm4b:s19+s23], $0x2000, s24, s23, $0x38;
	[tilespmem:$0x10100] =	vst v63  }
0x23: {  	p1 =	sge.u32 s31, s7  }
.Ltmp2:
0x24: {  	_ = 	snop;
	(pc) =	sbr.rel @p1 .LBB1_7-.Ltmp2, $1  }
0x25: {  	_ =	sdelay $0x3  }
0x26: {  	s18 =	simm.s32 $0x1;
	s20 =	sand.u32 $0x1, s14  }
0x27: {  	_ =	swait.ge [sflag:s5], $0x4000;
	s18 =	simm.s32 @!p0 $0x0;
	s20 =	smul.u32 $0x10200, s20  }
0x28: {  	p2 =	por $0x1, $0x1;
	[sflag:s5] =	ssyncset.done $0x0;
	s19 =	smul.u32 $0x10200, s18  }
0x29: {  	s21 =	sshll.u32 s18, $0x10;
	[sflag:s5] =	ssyncadd.s32 $0xFFFFC000;
	s30 =	sshrl.u32 s20, $0x2  }
0x2a: {  	s31 =	sshrl.u32 s21, $0x2;
	s21 =	simm.s32 $0x0;
	s19 =	sshrl.u32 s19, $0x2  }
0x2b: {  	s18 =	sor.u32 $0x8000, s30;
	s20 =	sadd.s32 $0x20, s31;
	s19 =	sor.u32 $0x8000, s19  }
.LBB1_3:
0x2c: {  	s22 =	sshll.u32 s21, $0xD  }
0x2d: {  	s22 =	sand.u32 $0x3FFFE000, s22  }
0x2e: {  	s24 =	sadd.s32 s22, s20  }
0x2f: {  	s31 =	smul.u32 $0x8100, s21;
	v3 =	vld [tilespmem:s24+$0x10]  }
0x30: {  	v1 =	vld [tilespmem:s24+$0xFFFFFFF0]  }
0x31: {  	s21 =	sshra.s32 s31, $0x2;
	v0 =	vld [tilespmem:s24+$0x0]  }
0x32: {  	s21 =	sadd.s32 s21, s19;
	v2 =	vld [tilespmem:s24+$0xFFFFFFE0]  }
0x33: {  	s22 =	sadd.s32 $0x0, s21  }
0x34: {  	p1 =	por p2, p2;
	s23 =	simm.s32 $0x4;
	s24 =	sadd.s32 $0x40, s24;
	[tilespmem:s22+$0x1830 ss:$0x81] =	vst.msk $0xffff, v3  }
.LBB1_4:
0x35: {  	v3 =	vld [tilespmem:s24+$0x10];
	p2 =	sne.s32 s23, $0x1FC;
	[tilespmem:s22+$0x810 ss:$0x81] =	vst.msk $0xffff, v1;
	s25 =	smov.u32 s23;
	s23 =	sadd.s32 $0x4, s23  }
.Ltmp3:
0x36: {  	v1 =	vld [tilespmem:s24+$0xFFFFFFF0];
	[tilespmem:s22+$0x1020 ss:$0x81] =	vst.msk $0xffff, v0;
	(pc) =	sbr.rel @p2 .LBB1_4-.Ltmp3, $4  }
0x37: {  	v0 =	vld [tilespmem:s24+$0x0];
	[tilespmem:s22+$0x0 ss:$0x81] =	vst.msk $0xffff, v2  }
0x38: {  	s22 =	sshra.s32 s25, $0x2;
	v2 =	vld [tilespmem:s24+$0xFFFFFFE0]  }
0x39: {  	s22 =	sadd.s32 s22, s21  }
0x3a: {  	s24 =	sadd.s32 $0x40, s24;
	[tilespmem:s22+$0x1830 ss:$0x81] =	vst.msk $0xffff, v3  }
.Ltmp4:
0x3b: {  	(pc) =	sbr.rel @p1 .LBB1_3-.Ltmp4, $4  }
0x3c: {  	_ = 	snop  }
0x3d: {  	[tilespmem:s22+$0x810 ss:$0x81] =	vst.msk $0xffff, v1  }
0x3e: {  	[tilespmem:s22+$0x1020 ss:$0x81] =	vst.msk $0xffff, v0  }
0x3f: {  	s21 =	simm.s32 $0x1;
	p2 =	por $0x0, $0x0;
	[tilespmem:s22+$0x0 ss:$0x81] =	vst.msk $0xffff, v2  }
0x40: {  	s19 =	sshll.u32 s15, $0x3;
	s20 =	sand.u32 $0x78, s15  }
0x41: {  	s17 =	sshll.u32 s17, $0x14;
	s16 =	sshll.u32 s16, $0xF;
	s29 =	sand.u32 $0x7E00, s15  }
.Ltmp5:
0x42: {  	s19 =	sand.u32 $0xC00, s19;
	s17 =	sadd.s32 s2, s17;
	(pc) =	sbr.rel .LBB1_7-.Ltmp5, $4  }
0x43: {  	s30 =	sand.u32 $0x7, s15;
	s19 =	sor.u32 s20, s19;
	s16 =	sadd.s32 s16, s17  }
0x44: {  	s15 =	sshll.u32 s30, $0x12;
	s31 =	sshrl.u32 s19, $0x3;
	s16 =	sadd.s32 s29, s16  }
0x45: {  	s15 =	sor.u32 $0x400, s15;
	s16 =	sadd.s32 s31, s16  }
0x46: {  	[hbm4b:s16+s15] =	stream.strided.scatter [tilespmem:s18], [sflag:$0x2], $0x4000, s10, s15, $0x20;
	[tilespmem:$0x10100] =	vst v63  }
.LBB1_8:
0x47: {  	_ =	sfence.sel $0x180000  }
0x48: {  	s2 =	simm.s32 $0x1;
	[bflag:$0x0] =	sbarrier.arrive $0xFFFF  }
0x49: {  	s31 =	simm.s32 $0x2;
	[sflag:s2] =	ssyncpa.u1 $0x1  }
0x4a: {  	[sflag:s31] =	ssyncpa.u1 $0x1  }
0x4b: {  	p0 =	sne.s32 s0, $0x0;
	_ =	strace $0x90000047  }
0x4c: {  	s0 =	sadd.s32 @!p0 $0x100000, s1;
	[bflag:$0x2] =	sbarrier.arrive $0xFFFF  }
0x4d: {  	[sflag:s0] =	ssyncadd.tile.s32 @!p0 $0x1;
	_ =	shalt  }
.Lfunc_end1:
_tile_overlayer_lowered:
.L_overlay_start_2:
0x4e: {  	(tag) =	ssettag $0x2  }
0x4f: {  	s0 =	rddreg [dreg:$0x0];
	s2 =	stileid.u32  }
0x50: {  	s1 =	rddreg [dreg:$0x1];
	p0 =	sne.s32 s2, $0x0  }
0x51: {  	s3 =	rddreg [dreg:$0x2];
	[bflag:$0x3] =	sbarrier.arrive $0xFFFF;
	s2 =	simm.s32 @!p0 $0x1C01  }
0x52: {  	[timem:s3], [sflag:s2] =	dma.local @!p0 [hbm:s0], s1  }
0x53: {  	s0 =	simm.s32 @!p0 $0x1  }
0x54: {  	_ =	swait.ge @!p0 [sflag:s0], s1  }
0x55: {  	s1 =	ssub.s32 @!p0 $0x0, s1;
	[sflag:s0] =	ssyncset.done @!p0 $0x0  }
0x56: {  	[sflag:s0] =	ssyncadd.s32 @!p0 s1  }
0x57: {  	[bflag:$0x3] =	sbarrier.arrive $0xFFFF  }
0x58: {  	_ =	shalt  }

</sc_bundles>
